<compile_context>
chip_gen: v7x
topology: tpu7x:2x2x1
jax: 0.10.2.dev20260603
libtpu: 0.0.44.dev20260713+nightly
codegen_flags: <defaults>
</compile_context>

<pallas_src>
import jax
import jax.numpy as jnp
from jax.experimental import pallas as pl


_B, _C, _H, _W = 8, 96, 128, 128
_P = _H * _W


def _stencil_mean(a, inv_deg, mask_l, mask_r):
    c = a.shape[0]
    z1 = jnp.zeros((c, 1), a.dtype)
    zrow = jnp.zeros((c, _W), a.dtype)
    left = jnp.concatenate([z1, a[:, :-1]], axis=1) * mask_l
    right = jnp.concatenate([a[:, 1:], z1], axis=1) * mask_r
    up = jnp.concatenate([zrow, a[:, :-_W]], axis=1)
    down = jnp.concatenate([a[:, _W:], zrow], axis=1)
    return (a + left + right + up + down) * inv_deg


def _edge_masks(dtype):
    jj = jax.lax.broadcasted_iota(jnp.int32, (1, _P), 1)
    jmod = jax.lax.rem(jj, _W)
    ii = jax.lax.div(jj, _W)
    mask_l = (jmod > 0).astype(dtype)
    mask_r = (jmod < _W - 1).astype(dtype)
    has_up = (ii > 0).astype(dtype)
    has_dn = (ii < _H - 1).astype(dtype)
    deg = 1.0 + mask_l + mask_r + has_up + has_dn
    return 1.0 / deg, mask_l, mask_r


def _pool_kernel(x_ref, wpre_ref, bpre_ref, w1_ref, b1_ref, w2_ref, b2_ref,
                 out_ref):
    xb = x_ref[0]
    inv_deg, mask_l, mask_r = _edge_masks(xb.dtype)
    x_red = jnp.dot(wpre_ref[...], xb, preferred_element_type=jnp.float32)
    x_red = x_red + bpre_ref[...].T
    s0 = _stencil_mean(x_red, inv_deg, mask_l, mask_r)
    h1 = jnp.dot(w1_ref[...], s0, preferred_element_type=jnp.float32)
    h1 = jnp.maximum(h1 + b1_ref[...].T, 0.0)
    s1 = _stencil_mean(h1, inv_deg, mask_l, mask_r)
    h2 = jnp.dot(w2_ref[...], s1, preferred_element_type=jnp.float32)
    h2 = jnp.maximum(h2 + b2_ref[...].T, 0.0)
    out_ref[0, 0, :] = jnp.sum(h2, axis=1) * (1.0 / _P)


def _out_kernel(x_ref, wres_ref, pooled_ref, gamma_ref, beta_ref, out_ref):
    b = pl.program_id(0)
    pooled = pooled_ref[...]
    mu = jnp.mean(pooled, axis=0, keepdims=True)
    d = pooled - mu
    var = jnp.mean(d * d, axis=0, keepdims=True)
    normed = d * jax.lax.rsqrt(var + 1e-5) * gamma_ref[...] + beta_ref[...]
    rowmask = (jax.lax.broadcasted_iota(jnp.int32, (_B, 1), 0) == b)
    ncol = jnp.sum(normed * rowmask.astype(normed.dtype), axis=0,
                   keepdims=True).T
    xb = x_ref[0]
    out_ref[0] = jnp.dot(wres_ref[...], xb,
                         preferred_element_type=jnp.float32) + ncol


def kernel(x, W_pre, b_pre, W1, b1, W2, b2, gamma, beta, W_res, edge_index):
    del edge_index
    x3 = x.reshape(_B, _C, _P)
    row = lambda v: v.reshape(1, _C)
    wspec = pl.BlockSpec((_C, _C), lambda b: (0, 0))
    vspec = pl.BlockSpec((1, _C), lambda b: (0, 0))
    xspec = pl.BlockSpec((1, _C, _P), lambda b: (b, 0, 0))

    pooled = pl.pallas_call(
        _pool_kernel,
        grid=(_B,),
        in_specs=[xspec, wspec, vspec, wspec, vspec, wspec, vspec],
        out_specs=pl.BlockSpec((1, 1, _C), lambda b: (b, 0, 0)),
        out_shape=jax.ShapeDtypeStruct((_B, 1, _C), jnp.float32),
    )(x3, W_pre, row(b_pre), W1, row(b1), W2, row(b2))

    out3 = pl.pallas_call(
        _out_kernel,
        grid=(_B,),
        in_specs=[xspec, wspec,
                  pl.BlockSpec((_B, _C), lambda b: (0, 0)),
                  vspec, vspec],
        out_specs=xspec,
        out_shape=jax.ShapeDtypeStruct((_B, _C, _P), jnp.float32),
    )(x3, W_res, pooled.reshape(_B, _C), row(gamma), row(beta))

    return out3.reshape(_B, _C, _H, _W)

# --- scband reference (transcript-rebuilt; emitter-appended) ---
"""Pipeline reference for scband-graph-channel-embed-249108103808 (READ-ONLY COPY).

The authoritative reference and input builder live on the scoring server;
editing this copy changes nothing except your own understanding.
"""

import jax, jax.numpy as jnp
import numpy as np

B, CIN, COUT, H, W = 8, 96, 96, 128, 128


def _grid_edges(H, W, B):
    # radius_graph(coords, r=1.0, loop=False) on an integer HxW grid == 4-neighborhood,
    # directed both ways; per-sample node offset b*H*W (matches the torch forward loop).
    idx = np.arange(H * W).reshape(H, W)
    s_r = idx[:, :-1].reshape(-1); d_r = idx[:, 1:].reshape(-1)
    s_d = idx[:-1, :].reshape(-1); d_d = idx[1:, :].reshape(-1)
    src = np.concatenate([s_r, d_r, s_d, d_d])
    dst = np.concatenate([d_r, s_r, d_d, s_d])
    offs = (np.arange(B) * H * W)[:, None]
    src = (src[None, :] + offs).reshape(-1)
    dst = (dst[None, :] + offs).reshape(-1)
    return np.stack([src, dst]).astype(np.int64)


def setup_inputs(seed: int = 0):
    key = jax.random.key(seed)
    ks = jax.random.split(key, 8)
    x = jax.random.normal(ks[0], (B, CIN, H, W), dtype=jnp.float32)
    W_pre = jax.random.normal(ks[1], (COUT, CIN), dtype=jnp.float32) * (1.0 / np.sqrt(CIN))
    b_pre = jnp.zeros((COUT,), dtype=jnp.float32)
    W1 = jax.random.normal(ks[2], (COUT, COUT), dtype=jnp.float32) * (1.0 / np.sqrt(COUT))
    b1 = jnp.zeros((COUT,), dtype=jnp.float32)
    W2 = jax.random.normal(ks[3], (COUT, COUT), dtype=jnp.float32) * (1.0 / np.sqrt(COUT))
    b2 = jnp.zeros((COUT,), dtype=jnp.float32)
    gamma = jnp.ones((COUT,), dtype=jnp.float32)
    beta = jnp.zeros((COUT,), dtype=jnp.float32)
    W_res = jax.random.normal(ks[4], (COUT, CIN), dtype=jnp.float32) * (1.0 / np.sqrt(CIN))
    edge_index = jnp.asarray(_grid_edges(H, W, B))
    return {"x": x, "W_pre": W_pre, "b_pre": b_pre, "W1": W1, "b1": b1,
            "W2": W2, "b2": b2, "gamma": gamma, "beta": beta, "W_res": W_res,
            "edge_index": edge_index}


def _gcn_conv_mean(xg, edge_index, Wt, b, N):
    # GCNConv(..., aggr='mean'): linear transform, gather along src, mean-aggregate
    # into dst (self-loops added, as PyG GCNConv does by default), plus bias.
    src, dst = edge_index[0], edge_index[1]
    loop = jnp.arange(N, dtype=src.dtype)
    src = jnp.concatenate([src, loop])
    dst = jnp.concatenate([dst, loop])
    msg = jnp.take(xg @ Wt.T, src, axis=0)
    agg = jax.ops.segment_sum(msg, dst, num_segments=N)
    deg = jax.ops.segment_sum(jnp.ones_like(dst, dtype=xg.dtype), dst, num_segments=N)
    return agg / deg[:, None] + b[None, :]


def reference(x, W_pre, b_pre, W1, b1, W2, b2, gamma, beta, W_res, edge_index):
    Bx, Cin, Hx, Wx = x.shape
    N = Bx * Hx * Wx
    # preprocess 1x1 conv
    x_red = jnp.einsum('bchw,oc->bohw', x, W_pre) + b_pre[None, :, None, None]
    # to node features [B*H*W, C]
    xg = x_red.reshape(Bx, -1, Hx * Wx).transpose(0, 2, 1).reshape(-1, x_red.shape[1])
    # C.GCN_layers = 2: two GCNConv(mean) layers, ReLU after each
    xg = jax.nn.relu(_gcn_conv_mean(xg, edge_index, W1, b1, N))
    xg = jax.nn.relu(_gcn_conv_mean(xg, edge_index, W2, b2, N))
    # global_mean_pool over each sample's H*W nodes -> [B, COUT]
    pooled = xg.reshape(Bx, Hx * Wx, -1).mean(axis=1)
    # BatchNorm2d on [B, C, 1, 1] in training mode: batch stats over B (biased var)
    mu = pooled.mean(axis=0, keepdims=True)
    var = pooled.var(axis=0, keepdims=True)
    normed = (pooled - mu) / jnp.sqrt(var + 1e-5) * gamma[None, :] + beta[None, :]
    # residual 1x1 conv (no bias) + broadcast channel embedding
    resid = jnp.einsum('bchw,oc->bohw', x, W_res)
    out = resid + normed[:, :, None, None]
    return out

if __name__ == "__main__":
    import jax
    _d = setup_inputs()
    print(jax.jit(kernel)(*tuple(_d.values())))

</pallas_src>

<mosaic_0001>
module attributes {stable_mosaic.version = 14 : i64} {
  func.func @_pool_kernel(%arg0: i32, %arg1: memref<1x96x16384xf32, #tpu.memory_space<vmem>>, %arg2: memref<96x96xf32, #tpu.memory_space<vmem>>, %arg3: memref<1x96xf32, #tpu.memory_space<vmem>>, %arg4: memref<96x96xf32, #tpu.memory_space<vmem>>, %arg5: memref<1x96xf32, #tpu.memory_space<vmem>>, %arg6: memref<96x96xf32, #tpu.memory_space<vmem>>, %arg7: memref<1x96xf32, #tpu.memory_space<vmem>>, %arg8: memref<1x1x96xf32, #tpu.memory_space<vmem>>) attributes {dimension_semantics = [#tpu.dimension_semantics<arbitrary>], iteration_bounds = array<i64: 8>, scalar_prefetch = 0 : i64, scratch_operands = 0 : i64, tpu.core_type = #tpu.core_type<tc>, window_params = [{transform_indices = @transform_0, window_bounds = array<i64: 1, 96, 16384>}, {pipeline_mode = #tpu.pipeline_mode<synchronous>, transform_indices = @transform_1, window_bounds = array<i64: 96, 96>}, {pipeline_mode = #tpu.pipeline_mode<synchronous>, transform_indices = @transform_2, window_bounds = array<i64: 1, 96>}, {pipeline_mode = #tpu.pipeline_mode<synchronous>, transform_indices = @transform_3, window_bounds = array<i64: 96, 96>}, {pipeline_mode = #tpu.pipeline_mode<synchronous>, transform_indices = @transform_4, window_bounds = array<i64: 1, 96>}, {pipeline_mode = #tpu.pipeline_mode<synchronous>, transform_indices = @transform_5, window_bounds = array<i64: 96, 96>}, {pipeline_mode = #tpu.pipeline_mode<synchronous>, transform_indices = @transform_6, window_bounds = array<i64: 1, 96>}, {transform_indices = @transform_7, window_bounds = array<i64: 1, 1, 96>}]} {
    %get3A = arith.constant 0 : index
    %get3A_0 = arith.constant 0 : index
    %get3A_1 = arith.constant 0 : index
    %get3A_2 = vector.load %arg1[%get3A, %get3A_0, %get3A_1] : memref<1x96x16384xf32, #tpu.memory_space<vmem>>, vector<1x96x16384xf32>
    %get3A_3 = vector.shape_cast %get3A_2 : vector<1x96x16384xf32> to vector<96x16384xf32>
    %iota3A = tpu.iota {dimensions = array<i32: 1>} : vector<1x16384xi32>
    %rem3A = arith.constant 128 : i32
    %rem3A_4 = vector.broadcast %rem3A : i32 to vector<1x16384xi32>
    %rem3A_5 = arith.remsi %iota3A, %rem3A_4 : vector<1x16384xi32>
    %div3A = arith.constant 128 : i32
    %div3A_6 = vector.broadcast %div3A : i32 to vector<1x16384xi32>
    %div3A_7 = arith.divsi %iota3A, %div3A_6 : vector<1x16384xi32>
    %gt3A = arith.constant 0 : i32
    %gt3A_8 = vector.broadcast %gt3A : i32 to vector<1x16384xi32>
    %gt3A_9 = arith.cmpi sgt, %rem3A_5, %gt3A_8 : vector<1x16384xi32>
    %convert_element_type3A = arith.extui %gt3A_9 : vector<1x16384xi1> to vector<1x16384xi32>
    %convert_element_type3A_10 = arith.sitofp %convert_element_type3A : vector<1x16384xi32> to vector<1x16384xf32>
    %lt3A = arith.constant 127 : i32
    %lt3A_11 = vector.broadcast %lt3A : i32 to vector<1x16384xi32>
    %lt3A_12 = arith.cmpi slt, %rem3A_5, %lt3A_11 : vector<1x16384xi32>
    %convert_element_type3A_13 = arith.extui %lt3A_12 : vector<1x16384xi1> to vector<1x16384xi32>
    %convert_element_type3A_14 = arith.sitofp %convert_element_type3A_13 : vector<1x16384xi32> to vector<1x16384xf32>
    %gt3A_15 = arith.constant 0 : i32
    %gt3A_16 = vector.broadcast %gt3A_15 : i32 to vector<1x16384xi32>
    %gt3A_17 = arith.cmpi sgt, %div3A_7, %gt3A_16 : vector<1x16384xi32>
    %convert_element_type3A_18 = arith.extui %gt3A_17 : vector<1x16384xi1> to vector<1x16384xi32>
    %convert_element_type3A_19 = arith.sitofp %convert_element_type3A_18 : vector<1x16384xi32> to vector<1x16384xf32>
    %lt3A_20 = arith.constant 127 : i32
    %lt3A_21 = vector.broadcast %lt3A_20 : i32 to vector<1x16384xi32>
    %lt3A_22 = arith.cmpi slt, %div3A_7, %lt3A_21 : vector<1x16384xi32>
    %convert_element_type3A_23 = arith.extui %lt3A_22 : vector<1x16384xi1> to vector<1x16384xi32>
    %convert_element_type3A_24 = arith.sitofp %convert_element_type3A_23 : vector<1x16384xi32> to vector<1x16384xf32>
    %add3A = arith.constant 1.000000e+00 : f32
    %add3A_25 = vector.broadcast %add3A : f32 to vector<1x16384xf32>
    %add3A_26 = arith.addf %add3A_25, %convert_element_type3A_10 : vector<1x16384xf32>
    %add3A_27 = arith.addf %add3A_26, %convert_element_type3A_14 : vector<1x16384xf32>
    %add3A_28 = arith.addf %add3A_27, %convert_element_type3A_19 : vector<1x16384xf32>
    %add3A_29 = arith.addf %add3A_28, %convert_element_type3A_24 : vector<1x16384xf32>
    %div3A_30 = arith.constant 1.000000e+00 : f32
    %div3A_31 = vector.broadcast %div3A_30 : f32 to vector<1x16384xf32>
    %div3A_32 = arith.divf %div3A_31, %add3A_29 : vector<1x16384xf32>
    %get3A_33 = arith.constant 0 : index
    %get3A_34 = arith.constant 0 : index
    %get3A_35 = vector.load %arg2[%get3A_33, %get3A_34] : memref<96x96xf32, #tpu.memory_space<vmem>>, vector<96x96xf32>
    %dot_general3A = arith.constant dense<0.000000e+00> : vector<96x16384xf32>
    %dot_general3A_36 = tpu.matmul %get3A_35, %get3A_3, %dot_general3A {dimension_numbers = #tpu.dot_dimension_numbers<[1], [0], [0], [1], [0, 0, 1, 1], [], []>, transpose_lhs_hint = false} : vector<96x96xf32>, vector<96x16384xf32>, vector<96x16384xf32> -> vector<96x16384xf32>
    %get3A_37 = arith.constant 0 : index
    %get3A_38 = arith.constant 0 : index
    %get3A_39 = vector.load %arg3[%get3A_37, %get3A_38] : memref<1x96xf32, #tpu.memory_space<vmem>>, vector<1x96xf32>
    %transpose3A = tpu.transpose %get3A_39, [1, 0] : vector<1x96xf32> -> vector<96x1xf32>
    %add3A_40 = vector.broadcast %transpose3A : vector<96x1xf32> to vector<96x16384xf32>
    %add3A_41 = arith.addf %dot_general3A_36, %add3A_40 : vector<96x16384xf32>
    %broadcast_in_dim3A = arith.constant 0.000000e+00 : f32
    %broadcast_in_dim3A_42 = vector.broadcast %broadcast_in_dim3A : f32 to vector<96x1xf32>
    %broadcast_in_dim3A_43 = arith.constant 0.000000e+00 : f32
    %broadcast_in_dim3A_44 = vector.broadcast %broadcast_in_dim3A_43 : f32 to vector<96x128xf32>
    %slice3A = vector.extract_strided_slice %add3A_41 {offsets = [0, 0], sizes = [96, 16383], strides = [1, 1]} : vector<96x16384xf32> to vector<96x16383xf32>
    %concatenate3A = tpu.concatenate %broadcast_in_dim3A_42, %slice3A in 1 : vector<96x1xf32>, vector<96x16383xf32> -> vector<96x16384xf32>
    %mul3A = vector.broadcast %convert_element_type3A_10 : vector<1x16384xf32> to vector<96x16384xf32>
    %mul3A_45 = arith.mulf %concatenate3A, %mul3A : vector<96x16384xf32>
    %slice3A_46 = vector.extract_strided_slice %add3A_41 {offsets = [0, 1], sizes = [96, 16383], strides = [1, 1]} : vector<96x16384xf32> to vector<96x16383xf32>
    %concatenate3A_47 = tpu.concatenate %slice3A_46, %broadcast_in_dim3A_42 in 1 : vector<96x16383xf32>, vector<96x1xf32> -> vector<96x16384xf32>
    %mul3A_48 = vector.broadcast %convert_element_type3A_14 : vector<1x16384xf32> to vector<96x16384xf32>
    %mul3A_49 = arith.mulf %concatenate3A_47, %mul3A_48 : vector<96x16384xf32>
    %slice3A_50 = vector.extract_strided_slice %add3A_41 {offsets = [0, 0], sizes = [96, 16256], strides = [1, 1]} : vector<96x16384xf32> to vector<96x16256xf32>
    %concatenate3A_51 = tpu.concatenate %broadcast_in_dim3A_44, %slice3A_50 in 1 : vector<96x128xf32>, vector<96x16256xf32> -> vector<96x16384xf32>
    %slice3A_52 = vector.extract_strided_slice %add3A_41 {offsets = [0, 128], sizes = [96, 16256], strides = [1, 1]} : vector<96x16384xf32> to vector<96x16256xf32>
    %concatenate3A_53 = tpu.concatenate %slice3A_52, %broadcast_in_dim3A_44 in 1 : vector<96x16256xf32>, vector<96x128xf32> -> vector<96x16384xf32>
    %add3A_54 = arith.addf %add3A_41, %mul3A_45 : vector<96x16384xf32>
    %add3A_55 = arith.addf %add3A_54, %mul3A_49 : vector<96x16384xf32>
    %add3A_56 = arith.addf %add3A_55, %concatenate3A_51 : vector<96x16384xf32>
    %add3A_57 = arith.addf %add3A_56, %concatenate3A_53 : vector<96x16384xf32>
    %mul3A_58 = vector.broadcast %div3A_32 : vector<1x16384xf32> to vector<96x16384xf32>
    %mul3A_59 = arith.mulf %add3A_57, %mul3A_58 : vector<96x16384xf32>
    %get3A_60 = arith.constant 0 : index
    %get3A_61 = arith.constant 0 : index
    %get3A_62 = vector.load %arg4[%get3A_60, %get3A_61] : memref<96x96xf32, #tpu.memory_space<vmem>>, vector<96x96xf32>
    %dot_general3A_63 = arith.constant dense<0.000000e+00> : vector<96x16384xf32>
    %dot_general3A_64 = tpu.matmul %get3A_62, %mul3A_59, %dot_general3A_63 {dimension_numbers = #tpu.dot_dimension_numbers<[1], [0], [0], [1], [0, 0, 1, 1], [], []>, transpose_lhs_hint = false} : vector<96x96xf32>, vector<96x16384xf32>, vector<96x16384xf32> -> vector<96x16384xf32>
    %get3A_65 = arith.constant 0 : index
    %get3A_66 = arith.constant 0 : index
    %get3A_67 = vector.load %arg5[%get3A_65, %get3A_66] : memref<1x96xf32, #tpu.memory_space<vmem>>, vector<1x96xf32>
    %transpose3A_68 = tpu.transpose %get3A_67, [1, 0] : vector<1x96xf32> -> vector<96x1xf32>
    %add3A_69 = vector.broadcast %transpose3A_68 : vector<96x1xf32> to vector<96x16384xf32>
    %add3A_70 = arith.addf %dot_general3A_64, %add3A_69 : vector<96x16384xf32>
    %max3A = arith.constant 0.000000e+00 : f32
    %max3A_71 = vector.broadcast %max3A : f32 to vector<96x16384xf32>
    %max3A_72 = arith.maximumf %add3A_70, %max3A_71 : vector<96x16384xf32>
    %broadcast_in_dim3A_73 = arith.constant 0.000000e+00 : f32
    %broadcast_in_dim3A_74 = vector.broadcast %broadcast_in_dim3A_73 : f32 to vector<96x1xf32>
    %broadcast_in_dim3A_75 = arith.constant 0.000000e+00 : f32
    %broadcast_in_dim3A_76 = vector.broadcast %broadcast_in_dim3A_75 : f32 to vector<96x128xf32>
    %slice3A_77 = vector.extract_strided_slice %max3A_72 {offsets = [0, 0], sizes = [96, 16383], strides = [1, 1]} : vector<96x16384xf32> to vector<96x16383xf32>
    %concatenate3A_78 = tpu.concatenate %broadcast_in_dim3A_74, %slice3A_77 in 1 : vector<96x1xf32>, vector<96x16383xf32> -> vector<96x16384xf32>
    %mul3A_79 = vector.broadcast %convert_element_type3A_10 : vector<1x16384xf32> to vector<96x16384xf32>
    %mul3A_80 = arith.mulf %concatenate3A_78, %mul3A_79 : vector<96x16384xf32>
    %slice3A_81 = vector.extract_strided_slice %max3A_72 {offsets = [0, 1], sizes = [96, 16383], strides = [1, 1]} : vector<96x16384xf32> to vector<96x16383xf32>
    %concatenate3A_82 = tpu.concatenate %slice3A_81, %broadcast_in_dim3A_74 in 1 : vector<96x16383xf32>, vector<96x1xf32> -> vector<96x16384xf32>
    %mul3A_83 = vector.broadcast %convert_element_type3A_14 : vector<1x16384xf32> to vector<96x16384xf32>
    %mul3A_84 = arith.mulf %concatenate3A_82, %mul3A_83 : vector<96x16384xf32>
    %slice3A_85 = vector.extract_strided_slice %max3A_72 {offsets = [0, 0], sizes = [96, 16256], strides = [1, 1]} : vector<96x16384xf32> to vector<96x16256xf32>
    %concatenate3A_86 = tpu.concatenate %broadcast_in_dim3A_76, %slice3A_85 in 1 : vector<96x128xf32>, vector<96x16256xf32> -> vector<96x16384xf32>
    %slice3A_87 = vector.extract_strided_slice %max3A_72 {offsets = [0, 128], sizes = [96, 16256], strides = [1, 1]} : vector<96x16384xf32> to vector<96x16256xf32>
    %concatenate3A_88 = tpu.concatenate %slice3A_87, %broadcast_in_dim3A_76 in 1 : vector<96x16256xf32>, vector<96x128xf32> -> vector<96x16384xf32>
    %add3A_89 = arith.addf %max3A_72, %mul3A_80 : vector<96x16384xf32>
    %add3A_90 = arith.addf %add3A_89, %mul3A_84 : vector<96x16384xf32>
    %add3A_91 = arith.addf %add3A_90, %concatenate3A_86 : vector<96x16384xf32>
    %add3A_92 = arith.addf %add3A_91, %concatenate3A_88 : vector<96x16384xf32>
    %mul3A_93 = vector.broadcast %div3A_32 : vector<1x16384xf32> to vector<96x16384xf32>
    %mul3A_94 = arith.mulf %add3A_92, %mul3A_93 : vector<96x16384xf32>
    %get3A_95 = arith.constant 0 : index
    %get3A_96 = arith.constant 0 : index
    %get3A_97 = vector.load %arg6[%get3A_95, %get3A_96] : memref<96x96xf32, #tpu.memory_space<vmem>>, vector<96x96xf32>
    %dot_general3A_98 = arith.constant dense<0.000000e+00> : vector<96x16384xf32>
    %dot_general3A_99 = tpu.matmul %get3A_97, %mul3A_94, %dot_general3A_98 {dimension_numbers = #tpu.dot_dimension_numbers<[1], [0], [0], [1], [0, 0, 1, 1], [], []>, transpose_lhs_hint = false} : vector<96x96xf32>, vector<96x16384xf32>, vector<96x16384xf32> -> vector<96x16384xf32>
    %get3A_100 = arith.constant 0 : index
    %get3A_101 = arith.constant 0 : index
    %get3A_102 = vector.load %arg7[%get3A_100, %get3A_101] : memref<1x96xf32, #tpu.memory_space<vmem>>, vector<1x96xf32>
    %transpose3A_103 = tpu.transpose %get3A_102, [1, 0] : vector<1x96xf32> -> vector<96x1xf32>
    %add3A_104 = vector.broadcast %transpose3A_103 : vector<96x1xf32> to vector<96x16384xf32>
    %add3A_105 = arith.addf %dot_general3A_99, %add3A_104 : vector<96x16384xf32>
    %max3A_106 = arith.constant 0.000000e+00 : f32
    %max3A_107 = vector.broadcast %max3A_106 : f32 to vector<96x16384xf32>
    %max3A_108 = arith.maximumf %add3A_105, %max3A_107 : vector<96x16384xf32>
    %reduce_sum3A = arith.constant dense<0.000000e+00> : vector<96xf32>
    %reduce_sum3A_109 = vector.multi_reduction <add>, %max3A_108, %reduce_sum3A [1] : vector<96x16384xf32> to vector<96xf32>
    %mul3A_110 = arith.constant 6.10351563E-5 : f32
    %mul3A_111 = vector.broadcast %mul3A_110 : f32 to vector<96xf32>
    %mul3A_112 = arith.mulf %reduce_sum3A_109, %mul3A_111 : vector<96xf32>
    %swap3A = arith.constant 0 : index
    %swap3A_113 = arith.constant 0 : index
    %swap3A_114 = arith.constant 0 : index
    %swap3A_115 = vector.load %arg8[%swap3A, %swap3A_113, %swap3A_114] : memref<1x1x96xf32, #tpu.memory_space<vmem>>, vector<1x1x96xf32>
    %swap3A_116 = vector.shape_cast %swap3A_115 : vector<1x1x96xf32> to vector<96xf32>
    %swap3A_117 = vector.shape_cast %mul3A_112 : vector<96xf32> to vector<1x1x96xf32>
    tpu.vector_store %arg8[%swap3A, %swap3A_113, %swap3A_114], %swap3A_117 {strides = array<i32>} : memref<1x1x96xf32, #tpu.memory_space<vmem>>, vector<1x1x96xf32>,
    return
  }
  func.func @transform_0(%arg0: i32) -> (i32, i32, i32) {
    %c0_i32 = arith.constant 0 : i32
    %c0_i32_0 = arith.constant 0 : i32
    %c0_i32_1 = arith.constant 0 : i32
    return %arg0, %c0_i32, %c0_i32_0 : i32, i32, i32
  }
  func.func @transform_1(%arg0: i32) -> (i32, i32) {
    %c0_i32 = arith.constant 0 : i32
    %c0_i32_0 = arith.constant 0 : i32
    %c0_i32_1 = arith.constant 0 : i32
    return %c0_i32, %c0_i32_0 : i32, i32
  }
  func.func @transform_2(%arg0: i32) -> (i32, i32) {
    %c0_i32 = arith.constant 0 : i32
    %c0_i32_0 = arith.constant 0 : i32
    %c0_i32_1 = arith.constant 0 : i32
    return %c0_i32, %c0_i32_0 : i32, i32
  }
  func.func @transform_3(%arg0: i32) -> (i32, i32) {
    %c0_i32 = arith.constant 0 : i32
    %c0_i32_0 = arith.constant 0 : i32
    %c0_i32_1 = arith.constant 0 : i32
    return %c0_i32, %c0_i32_0 : i32, i32
  }
  func.func @transform_4(%arg0: i32) -> (i32, i32) {
    %c0_i32 = arith.constant 0 : i32
    %c0_i32_0 = arith.constant 0 : i32
    %c0_i32_1 = arith.constant 0 : i32
    return %c0_i32, %c0_i32_0 : i32, i32
  }
  func.func @transform_5(%arg0: i32) -> (i32, i32) {
    %c0_i32 = arith.constant 0 : i32
    %c0_i32_0 = arith.constant 0 : i32
    %c0_i32_1 = arith.constant 0 : i32
    return %c0_i32, %c0_i32_0 : i32, i32
  }
  func.func @transform_6(%arg0: i32) -> (i32, i32) {
    %c0_i32 = arith.constant 0 : i32
    %c0_i32_0 = arith.constant 0 : i32
    %c0_i32_1 = arith.constant 0 : i32
    return %c0_i32, %c0_i32_0 : i32, i32
  }
  func.func @transform_7(%arg0: i32) -> (i32, i32, i32) {
    %c0_i32 = arith.constant 0 : i32
    %c0_i32_0 = arith.constant 0 : i32
    %c0_i32_1 = arith.constant 0 : i32
    return %arg0, %c0_i32, %c0_i32_0 : i32, i32, i32
  }
}

module attributes {stable_mosaic.version = 14 : i64} {
  func.func @_out_kernel(%arg0: i32, %arg1: memref<1x96x16384xf32, #tpu.memory_space<vmem>>, %arg2: memref<96x96xf32, #tpu.memory_space<vmem>>, %arg3: memref<8x96xf32, #tpu.memory_space<vmem>>, %arg4: memref<1x96xf32, #tpu.memory_space<vmem>>, %arg5: memref<1x96xf32, #tpu.memory_space<vmem>>, %arg6: memref<1x96x16384xf32, #tpu.memory_space<vmem>>) attributes {dimension_semantics = [#tpu.dimension_semantics<arbitrary>], iteration_bounds = array<i64: 8>, scalar_prefetch = 0 : i64, scratch_operands = 0 : i64, tpu.core_type = #tpu.core_type<tc>, window_params = [{transform_indices = @transform_0, window_bounds = array<i64: 1, 96, 16384>}, {pipeline_mode = #tpu.pipeline_mode<synchronous>, transform_indices = @transform_1, window_bounds = array<i64: 96, 96>}, {pipeline_mode = #tpu.pipeline_mode<synchronous>, transform_indices = @transform_2, window_bounds = array<i64: 8, 96>}, {pipeline_mode = #tpu.pipeline_mode<synchronous>, transform_indices = @transform_3, window_bounds = array<i64: 1, 96>}, {pipeline_mode = #tpu.pipeline_mode<synchronous>, transform_indices = @transform_4, window_bounds = array<i64: 1, 96>}, {transform_indices = @transform_5, window_bounds = array<i64: 1, 96, 16384>}]} {
    %get3A = arith.constant 0 : index
    %get3A_0 = arith.constant 0 : index
    %get3A_1 = vector.load %arg3[%get3A, %get3A_0] : memref<8x96xf32, #tpu.memory_space<vmem>>, vector<8x96xf32>
    %reduce_sum3A = arith.constant dense<0.000000e+00> : vector<96xf32>
    %reduce_sum3A_2 = vector.multi_reduction <add>, %get3A_1, %reduce_sum3A [0] : vector<8x96xf32> to vector<96xf32>
    %broadcast_in_dim3A = vector.shape_cast %reduce_sum3A_2 : vector<96xf32> to vector<1x96xf32>
    %div3A = arith.constant 8.000000e+00 : f32
    %div3A_3 = vector.broadcast %div3A : f32 to vector<1x96xf32>
    %div3A_4 = arith.divf %broadcast_in_dim3A, %div3A_3 : vector<1x96xf32>
    %sub3A = vector.broadcast %div3A_4 : vector<1x96xf32> to vector<8x96xf32>
    %sub3A_5 = arith.subf %get3A_1, %sub3A : vector<8x96xf32>
    %mul3A = arith.mulf %sub3A_5, %sub3A_5 : vector<8x96xf32>
    %reduce_sum3A_6 = arith.constant dense<0.000000e+00> : vector<96xf32>
    %reduce_sum3A_7 = vector.multi_reduction <add>, %mul3A, %reduce_sum3A_6 [0] : vector<8x96xf32> to vector<96xf32>
    %broadcast_in_dim3A_8 = vector.shape_cast %reduce_sum3A_7 : vector<96xf32> to vector<1x96xf32>
    %div3A_9 = arith.constant 8.000000e+00 : f32
    %div3A_10 = vector.broadcast %div3A_9 : f32 to vector<1x96xf32>
    %div3A_11 = arith.divf %broadcast_in_dim3A_8, %div3A_10 : vector<1x96xf32>
    %add3A = arith.constant 9.99999974E-6 : f32
    %add3A_12 = vector.broadcast %add3A : f32 to vector<1x96xf32>
    %add3A_13 = arith.addf %div3A_11, %add3A_12 : vector<1x96xf32>
    %rsqrt3A = math.rsqrt %add3A_13 : vector<1x96xf32>
    %mul3A_14 = vector.broadcast %rsqrt3A : vector<1x96xf32> to vector<8x96xf32>
    %mul3A_15 = arith.mulf %sub3A_5, %mul3A_14 : vector<8x96xf32>
    %get3A_16 = arith.constant 0 : index
    %get3A_17 = arith.constant 0 : index
    %get3A_18 = vector.load %arg4[%get3A_16, %get3A_17] : memref<1x96xf32, #tpu.memory_space<vmem>>, vector<1x96xf32>
    %mul3A_19 = vector.broadcast %get3A_18 : vector<1x96xf32> to vector<8x96xf32>
    %mul3A_20 = arith.mulf %mul3A_15, %mul3A_19 : vector<8x96xf32>
    %get3A_21 = arith.constant 0 : index
    %get3A_22 = arith.constant 0 : index
    %get3A_23 = vector.load %arg5[%get3A_21, %get3A_22] : memref<1x96xf32, #tpu.memory_space<vmem>>, vector<1x96xf32>
    %add3A_24 = vector.broadcast %get3A_23 : vector<1x96xf32> to vector<8x96xf32>
    %add3A_25 = arith.addf %mul3A_20, %add3A_24 : vector<8x96xf32>
    %iota3A = tpu.iota {dimensions = array<i32: 0>} : vector<8x1xi32>
    %eq3A = vector.broadcast %arg0 : i32 to vector<8x1xi32>
    %eq3A_26 = arith.cmpi eq, %iota3A, %eq3A : vector<8x1xi32>
    %convert_element_type3A = arith.extui %eq3A_26 : vector<8x1xi1> to vector<8x1xi32>
    %convert_element_type3A_27 = arith.sitofp %convert_element_type3A : vector<8x1xi32> to vector<8x1xf32>
    %mul3A_28 = vector.broadcast %convert_element_type3A_27 : vector<8x1xf32> to vector<8x96xf32>
    %mul3A_29 = arith.mulf %add3A_25, %mul3A_28 : vector<8x96xf32>
    %reduce_sum3A_30 = arith.constant dense<0.000000e+00> : vector<96xf32>
    %reduce_sum3A_31 = vector.multi_reduction <add>, %mul3A_29, %reduce_sum3A_30 [0] : vector<8x96xf32> to vector<96xf32>
    %broadcast_in_dim3A_32 = vector.shape_cast %reduce_sum3A_31 : vector<96xf32> to vector<1x96xf32>
    %transpose3A = tpu.transpose %broadcast_in_dim3A_32, [1, 0] : vector<1x96xf32> -> vector<96x1xf32>
    %get3A_33 = arith.constant 0 : index
    %get3A_34 = arith.constant 0 : index
    %get3A_35 = arith.constant 0 : index
    %get3A_36 = vector.load %arg1[%get3A_33, %get3A_34, %get3A_35] : memref<1x96x16384xf32, #tpu.memory_space<vmem>>, vector<1x96x16384xf32>
    %get3A_37 = vector.shape_cast %get3A_36 : vector<1x96x16384xf32> to vector<96x16384xf32>
    %get3A_38 = arith.constant 0 : index
    %get3A_39 = arith.constant 0 : index
    %get3A_40 = vector.load %arg2[%get3A_38, %get3A_39] : memref<96x96xf32, #tpu.memory_space<vmem>>, vector<96x96xf32>
    %dot_general3A = arith.constant dense<0.000000e+00> : vector<96x16384xf32>
    %dot_general3A_41 = tpu.matmul %get3A_40, %get3A_37, %dot_general3A {dimension_numbers = #tpu.dot_dimension_numbers<[1], [0], [0], [1], [0, 0, 1, 1], [], []>, transpose_lhs_hint = false} : vector<96x96xf32>, vector<96x16384xf32>, vector<96x16384xf32> -> vector<96x16384xf32>
    %add3A_42 = vector.broadcast %transpose3A : vector<96x1xf32> to vector<96x16384xf32>
    %add3A_43 = arith.addf %dot_general3A_41, %add3A_42 : vector<96x16384xf32>
    %swap3A = arith.constant 0 : index
    %swap3A_44 = arith.constant 0 : index
    %swap3A_45 = arith.constant 0 : index
    %swap3A_46 = vector.load %arg6[%swap3A, %swap3A_44, %swap3A_45] : memref<1x96x16384xf32, #tpu.memory_space<vmem>>, vector<1x96x16384xf32>
    %swap3A_47 = vector.shape_cast %swap3A_46 : vector<1x96x16384xf32> to vector<96x16384xf32>
    %swap3A_48 = vector.shape_cast %add3A_43 : vector<96x16384xf32> to vector<1x96x16384xf32>
    tpu.vector_store %arg6[%swap3A, %swap3A_44, %swap3A_45], %swap3A_48 {strides = array<i32>} : memref<1x96x16384xf32, #tpu.memory_space<vmem>>, vector<1x96x16384xf32>,
    return
  }
  func.func @transform_0(%arg0: i32) -> (i32, i32, i32) {
    %c0_i32 = arith.constant 0 : i32
    %c0_i32_0 = arith.constant 0 : i32
    %c0_i32_1 = arith.constant 0 : i32
    return %arg0, %c0_i32, %c0_i32_0 : i32, i32, i32
  }
  func.func @transform_1(%arg0: i32) -> (i32, i32) {
    %c0_i32 = arith.constant 0 : i32
    %c0_i32_0 = arith.constant 0 : i32
    %c0_i32_1 = arith.constant 0 : i32
    return %c0_i32, %c0_i32_0 : i32, i32
  }
  func.func @transform_2(%arg0: i32) -> (i32, i32) {
    %c0_i32 = arith.constant 0 : i32
    %c0_i32_0 = arith.constant 0 : i32
    %c0_i32_1 = arith.constant 0 : i32
    return %c0_i32, %c0_i32_0 : i32, i32
  }
  func.func @transform_3(%arg0: i32) -> (i32, i32) {
    %c0_i32 = arith.constant 0 : i32
    %c0_i32_0 = arith.constant 0 : i32
    %c0_i32_1 = arith.constant 0 : i32
    return %c0_i32, %c0_i32_0 : i32, i32
  }
  func.func @transform_4(%arg0: i32) -> (i32, i32) {
    %c0_i32 = arith.constant 0 : i32
    %c0_i32_0 = arith.constant 0 : i32
    %c0_i32_1 = arith.constant 0 : i32
    return %c0_i32, %c0_i32_0 : i32, i32
  }
  func.func @transform_5(%arg0: i32) -> (i32, i32, i32) {
    %c0_i32 = arith.constant 0 : i32
    %c0_i32_0 = arith.constant 0 : i32
    %c0_i32_1 = arith.constant 0 : i32
    return %arg0, %c0_i32, %c0_i32_0 : i32, i32, i32
  }
}

</mosaic_0001>

<sc_bundles>
// kernel: sparse-core-data-format-call.cloned.1.call-start
scs
called_computation_lowered:
.L_overlay_start_0:
0x0: {  	s2 =	sld [smem:$0x3FD9]  }
0x1: {  	s3 =	sld [smem:$0x3FFE];
	_ =	sdelay $0x1  }
0x2: {  	s1 =	srdreg.scid  }
0x3: {  	s0 =	sand.u32 $0x1, s1  }
0x4: {  	s18 =	sshll.u32 s0, $0xA;
	s2 =	sadd.s32 s3, s2  }
0x5: {  	s2 =	sadd.s32 s2, s18  }
0x6: {  	[smem:$0x3FBE] =	sst s2  }
0x7: {  	_ = 	snop  }
0x8: {  	s2 =	sld [smem:$0x3FD0];
	(tm) =	ssettm $0x1  }
0x9: {  	s19 =	sld [smem:$0x3FFB];
	_ =	sdelay $0x3  }
0xa: {  	_ =	strace s19  }
0xb: {  	s3 =	sld [smem:$0x3FFC];
	_ =	sdelay $0x3  }
0xc: {  	_ =	strace s3  }
0xd: {  	s3 =	sld [smem:$0x3FFD];
	_ =	sdelay $0x3  }
0xe: {  	_ =	strace s3  }
0xf: {  	_ =	strace $0x8FFFFFFF  }
0x10: {  	s20 =	sld [smem:$0x3FDB];
	_ =	sdelay $0x1  }
0x11: {  	s4 =	simm.s32 $_scs_section_size  }
0x12: {  	s5 =	simm.s32 $_size__tile_overlayer_lowered;
	s6 =	simm.s32 $_tile_overlayer_lowered  }
0x13: {  	s23 =	simm.s32 $0x1BFF;
	s22 =	sshll.u32 s6, $0x1;
	s3 =	sadd.s32 s4, s20  }
0x14: {  	s7 =	simm.s32 $0x0;
	s21 =	sshll.u32 s5, $0x1;
	s5 =	sadd.s32 s22, s3  }
0x15: {  	[timem:s7], [sflag:s23] =	dma.local [hbm:s5], s21  }
0x16: {  	_ =	swait.ge [sflag:s23], s21  }
0x17: {  	s4 =	ssub.s32 $0x0, s21;
	[sflag:s23] =	ssyncset.done $0x0  }
0x18: {  	[sflag:s23] =	ssyncadd.s32 s4;
	_ =	sdelay $0x1  }
0x19: {  	s24 =	simm.s32 $0x1B8B  }
0x1a: {  	_ =	swait.ge [sflag:s24], $0x1  }
0x1b: {  	[sflag:s24] =	ssyncset.done $0x0  }
0x1c: {  	s26 =	simm.s32 $0x1B8E;
	s25 =	sld [smem:$0x3FFE];
	[sflag:s24] =	ssyncadd.s32 $0xFFFFFFFF  }
0x1d: {  	s27 =	simm.s32 $execute0_lowered;
	[smem:$0x3FD2] =	sst s26  }
0x1e: {  	s5 =	sshll.u32 s27, $0x1;
	_ =	strace $0x80000046;
	[dreg:$0x1] =	wrdreg $0xFFFFFFFF  }
0x1f: {  	s28 =	simm.s32 $_size_execute0_lowered;
	s3 =	sadd.s32 s3, s5;
	[dreg:$0x0] =	wrdreg $0x0  }
0x20: {  	s5 =	sshll.u32 s28, $0x1;
	[dreg:$0x2] =	wrdreg s3  }
0x21: {  	[dreg:$0x3] =	wrdreg s5  }
0x22: {  	[dreg:$0x4] =	wrdreg $0xC0  }
0x23: {  	_ =	task [dreg:s7], $0x5FFFF  }
0x24: {  	[dreg:$0x1] =	wrdreg $0xFFFFFFFF  }
0x25: {  	[dreg:$0x0] =	wrdreg $0x60  }
0x26: {  	[dreg:$0x2] =	wrdreg s25  }
0x27: {  	[dreg:$0x3] =	wrdreg s2  }
0x28: {  	[dreg:$0x4] =	wrdreg $0x9  }
0x29: {  	_ =	task.clear_ibuf [dreg:s7], $0x5FFFF;
	_ =	strace $0x90000046  }
0x2a: {  	s29 =	simm.s32 $0x9;
	_ =	strace $0x80000048  }
0x2b: {  	_ =	swait.ge [sflag:s29], $0x1  }
0x2c: {  	[sflag:s29] =	ssyncadd.s32 $0xFFFFFFFF  }
0x2d: {  	_ =	strace $0x90000048  }
0x2e: {  	_ =	sfence  }
0x2f: {  	s30 =	sld [smem:$0x0];
	_ =	sdelay $0x2  }
0x30: {  	s31 =	sshll.u32 s1, $0xD;
	s1 =	sshrl.u32 s1, $0x2  }
0x31: {  	s3 =	sand.u32 $0x4000, s31;
	s1 =	sadd.s32 s1, s30  }
0x32: {  	s0 =	sor.u32 s3, s0;
	s1 =	sshll.u32 s1, $0x11  }
0x33: {  	s0 =	sor.u32 s1, s0  }
0x34: {  	s0 =	sadd.s32 $0x8F2B, s0  }
0x35: {  	[sflag:s0] =	ssyncadd.remote.s32 $0x1  }
0x36: {  	_ =	sfence.sel $0xFFFF  }
0x37: {  	[dreg:$0x0] =	wrdreg $0xFFFFFFFF;
	(pc) =	sbr.abs _section_cstart, $3  }
0x38: {  	[dreg:$0x1] =	wrdreg $0xFFFFFFFF  }
0x39: {  	_ =	task.clear_ibuf [dreg:s7], $0x2FFFF;
	_ =	strace $0x9FFFFFFF  }
0x3a: {  	(tm) =	ssettm $0x7FFFFFFF  }
0x3b: {  	_ =	shalt  }
tec
execute0_lowered:
.L_overlay_start_1:
0x0: {  	(tag) =	ssettag $0x1  }
0x1: {  	s1 =	rddreg [dreg:$0x0]  }
0x2: {  	s2 =	rddreg [dreg:$0x1]  }
0x3: {  	s0 =	rddreg [dreg:$0x2];
	_ =	strace $0x80000047;
	s4 =	srdreg.scid  }
0x4: {  	s6 =	simm.s32 $0x2;
	s11 =	simm.s32 $0x0;
	p0 =	por $0x0, $0x0  }
.Ltmp0:
0x5: {  	s7 =	simm.s32 $0x4000;
	s12 =	simm.s32 $0x0;
	(pc) =	sbr.rel .LBB1_1-.Ltmp0, $4  }
0x6: {  	s9 =	simm.s32 $0x0;
	s3 =	sadd.s32 $0x1600, s1;
	s5 =	sshll.u32 s4, $0x4  }
0x7: {  	s1 =	stileid.u32;
	s4 =	simm.s32 $0x1;
	s5 =	sand.u32 $0x10, s5  }
0x8: {  	s8 =	simm.s32 $0x0;
	[sflag:s4] =	ssyncpa.u1 $0x0;
	s5 =	sor.u32 s1, s5  }
0x9: {  	[sflag:s6] =	ssyncpa.u1 $0x0;
	s6 =	simm.s32 $0x800;
	s10 =	smov.u32 s5  }
.LBB1_7:
0xa: {  	s13 =	sadd.s32 $0x10, s9  }
0xb: {  	s11 =	sadd.s32 $0x20, s10;
	s15 =	smov.u32 s10;
	p2 =	sgt.s32 s13, $0x7F  }
0xc: {  	p1 =	slt.u32 s8, $0x2;
	s15 =	smov.u32 @p2 s11  }
0xd: {  	s8 =	sadd.s32 $0x1, s8;
	s13 =	simm.s32 @p2 $0x0;
	p2 =	sgt.s32 s15, $0x5F  }
0xe: {  	s15 =	smov.u32 @p2 s5;
	p2 =	sne.s32 s8, $0x1A  }
.Ltmp1:
0xf: {  	_ = 	snop;
	(pc) =	sbr.rel @!p2 .LBB1_8-.Ltmp1, $4  }
0x10: {  	s14 =	simm.s32 @!p1 $0x2  }
0x11: {  	s12 =	smov.u32 s10;
	_ =	swait.ge @!p1 [sflag:s14], $0x4000  }
0x12: {  	p0 =	por !p0, !p0;
	s11 =	smov.u32 s9;
	[sflag:s14] =	ssyncset.done @!p1 $0x0  }
0x13: {  	s9 =	smov.u32 s13;
	[sflag:s14] =	ssyncadd.s32 @!p1 $0xFFFFC000;
	s10 =	smov.u32 s15  }
.LBB1_1:
0x14: {  	p1 =	sgt.u32 s8, $0x17  }
0x15: {  	s13 =	sxor.u32 @!p1 $0xFFFFFFFF, s8;
	s14 =	sshll.u32 @!p1 s10, $0xE  }
0x16: {  	s15 =	sshll.u32 @!p1 s9, $0x7;
	s13 =	sshll.u32 @!p1 s13, $0xE;
	s14 =	sadd.s32 @!p1 s3, s14  }
0x17: {  	s13 =	sand.u32 @!p1 $0x4000, s13;
	s14 =	sadd.s32 @!p1 s15, s14;
	s15 =	simm.s32 @!p1 $0x0  }
0x18: {  	[tilespmem:s13], [sflag:$0x1] =	stream.linear.gather @!p1 [hbm4b:s14+s15], $0x4000, $0x38;
	[tilespmem:$0x10000] =	vst v63  }
0x19: {  	p1 =	seq.s32 s8, $0x0  }
0x1a: {  	p2 =	seq.s32 @!p1 s8, $0x19  }
0x1b: {  	p1 =	por p1, p2  }
.Ltmp2:
0x1c: {  	_ = 	snop;
	(pc) =	sbr.rel @p1 .LBB1_7-.Ltmp2, $1  }
0x1d: {  	_ =	sdelay $0x3  }
0x1e: {  	s13 =	simm.s32 $0x1;
	_ =	swait.ge [sflag:s4], $0x4000;
	s16 =	sshll.u32 s8, $0xE  }
0x1f: {  	s13 =	simm.s32 @!p0 $0x0;
	[sflag:s4] =	ssyncset.done $0x0;
	s31 =	sand.u32 $0x4000, s16  }
0x20: {  	s16 =	simm.s32 $0x0;
	s14 =	sshll.u32 s13, $0xE;
	[sflag:s4] =	ssyncadd.s32 $0xFFFFC000  }
0x21: {  	s13 =	sor.u32 $0x8040, s14;
	s15 =	sor.u32 $0x40, s14;
	s14 =	sor.u32 $0x8000, s31  }
.LBB1_3:
0x22: {  	v0 =	vmov s15;
	_ =	sdelay $0x3  }
0x23: {  	s18 =	simm.s32 $0x0  }
0x24: {  	v6 =	vld.idx.msk [tilespmem:v0+s18+$0x30 ss:$0x1], $0xffff  }
0x25: {  	v7 =	vld.idx.msk [tilespmem:v0+s18+$0xFFFFFFC0 ss:$0x1], $0xffff  }
0x26: {  	v5 =	vld.idx.msk [tilespmem:v0+s18+$0xFFFFFFD0 ss:$0x1], $0xffff  }
0x27: {  	v4 =	vld.idx.msk [tilespmem:v0+s18+$0xFFFFFFE0 ss:$0x1], $0xffff  }
0x28: {  	v3 =	vld.idx.msk [tilespmem:v0+s18+$0xFFFFFFF0 ss:$0x1], $0xffff  }
0x29: {  	v1 =	vld.idx.msk [tilespmem:v0+s18+$0x0 ss:$0x1], $0xffff  }
0x2a: {  	v2 =	vld.idx.msk [tilespmem:v0+s18+$0x10 ss:$0x1], $0xffff;
	[tilespmem:s13+$0x30] =	vst v6  }
0x2b: {  	s17 =	simm.s32 $0x80;
	s19 =	simm.s32 $0x400;
	[tilespmem:s13+$0xFFFFFFC0] =	vst v7;
	v6 =	vld.idx.msk [tilespmem:v0+s18+$0x20 ss:$0x1], $0xffff;
	s18 =	smov.u32 s13  }
.LBB1_4:
0x2c: {  	p1 =	sne.s32 s19, $0xE00;
	v7 =	vld.idx.msk [tilespmem:v0+s17+$0x30 ss:$0x1], $0xffff;
	[tilespmem:s18+$0xFFFFFFD0] =	vst v5  }
0x2d: {  	v8 =	vld.idx.msk [tilespmem:v0+s17+$0xFFFFFFC0 ss:$0x1], $0xffff;
	[tilespmem:s18+$0xFFFFFFE0] =	vst v4  }
0x2e: {  	v5 =	vld.idx.msk [tilespmem:v0+s17+$0xFFFFFFD0 ss:$0x1], $0xffff;
	[tilespmem:s18+$0xFFFFFFF0] =	vst v3  }
.Ltmp3:
0x2f: {  	v4 =	vld.idx.msk [tilespmem:v0+s17+$0xFFFFFFE0 ss:$0x1], $0xffff;
	[tilespmem:s18+$0x0] =	vst v1;
	(pc) =	sbr.rel @p1 .LBB1_4-.Ltmp3, $4  }
0x30: {  	v3 =	vld.idx.msk [tilespmem:v0+s17+$0xFFFFFFF0 ss:$0x1], $0xffff;
	[tilespmem:s18+$0x10] =	vst v2  }
0x31: {  	v1 =	vld.idx.msk [tilespmem:v0+s17+$0x0 ss:$0x1], $0xffff;
	[tilespmem:s18+$0x20] =	vst v6;
	s18 =	sadd.s32 $0x800, s18  }
0x32: {  	v2 =	vld.idx.msk [tilespmem:v0+s17+$0x10 ss:$0x1], $0xffff;
	[tilespmem:s18+$0x30] =	vst v7  }
0x33: {  	[tilespmem:s18+$0xFFFFFFC0] =	vst v8;
	v6 =	vld.idx.msk [tilespmem:v0+s17+$0x20 ss:$0x1], $0xffff;
	s17 =	sshra.s32 s19, $0x2;
	s19 =	sadd.s32 $0x200, s19  }
0x34: {  	_ =	sdelay $0x2  }
0x35: {  	[tilespmem:s18+$0xFFFFFFD0] =	vst v5  }
0x36: {  	v56 =	vld.idx.msk [tilespmem:v0+s17+$0x30 ss:$0x1], $0xffff;
	[tilespmem:s18+$0xFFFFFFE0] =	vst v4  }
0x37: {  	v57 =	vld.idx.msk [tilespmem:v0+s17+$0xFFFFFFC0 ss:$0x1], $0xffff;
	[tilespmem:s18+$0xFFFFFFF0] =	vst v3  }
0x38: {  	v58 =	vld.idx.msk [tilespmem:v0+s17+$0xFFFFFFD0 ss:$0x1], $0xffff;
	[tilespmem:s18+$0x0] =	vst v1  }
0x39: {  	v59 =	vld.idx.msk [tilespmem:v0+s17+$0xFFFFFFE0 ss:$0x1], $0xffff;
	[tilespmem:s18+$0x10] =	vst v2  }
0x3a: {  	v60 =	vld.idx.msk [tilespmem:v0+s17+$0xFFFFFFF0 ss:$0x1], $0xffff;
	s31 =	sadd.s32 $0x800, s18;
	[tilespmem:s18+$0x20] =	vst v6  }
0x3b: {  	v61 =	vld.idx.msk [tilespmem:v0+s17+$0x0 ss:$0x1], $0xffff;
	[tilespmem:s31+$0x30] =	vst v56  }
0x3c: {  	v62 =	vld.idx.msk [tilespmem:v0+s17+$0x10 ss:$0x1], $0xffff;
	s16 =	sadd.s32 $0x1, s16;
	[tilespmem:s31+$0xFFFFFFC0] =	vst v57  }
0x3d: {  	v63 =	vld.idx.msk [tilespmem:v0+s17+$0x20 ss:$0x1], $0xffff;
	p1 =	sne.s32 s16, $0x10;
	[tilespmem:s31+$0xFFFFFFD0] =	vst v58  }
.Ltmp4:
0x3e: {  	[tilespmem:s31+$0xFFFFFFE0] =	vst v59;
	(pc) =	sbr.rel @p1 .LBB1_3-.Ltmp4, $4  }
0x3f: {  	[tilespmem:s31+$0xFFFFFFF0] =	vst v60  }
0x40: {  	[tilespmem:s31+$0x0] =	vst v61  }
0x41: {  	[tilespmem:s31+$0x10] =	vst v62  }
0x42: {  	s13 =	sadd.s32 $0x80, s13;
	s15 =	sadd.s32 $0x400, s15;
	[tilespmem:s31+$0x20] =	vst v63  }
.Ltmp5:
0x43: {  	(pc) =	sbr.rel .LBB1_7-.Ltmp5, $4  }
0x44: {  	s12 =	sshll.u32 s12, $0xE;
	s11 =	sshll.u32 s11, $0x4  }
0x45: {  	s11 =	sand.u32 $0x7F0, s11;
	s12 =	sadd.s32 s2, s12  }
0x46: {  	s11 =	sadd.s32 s11, s12  }
0x47: {  	[hbm4b:s11+s6] =	stream.strided.scatter [tilespmem:s14], [sflag:$0x2], $0x4000, s7, s6, $0x38;
	[tilespmem:$0x10000] =	vst v63  }
.LBB1_8:
0x48: {  	_ =	sfence.sel $0x180000  }
0x49: {  	s2 =	simm.s32 $0x1;
	[bflag:$0x0] =	sbarrier.arrive $0xFFFF  }
0x4a: {  	s31 =	simm.s32 $0x2;
	[sflag:s2] =	ssyncpa.u1 $0x1  }
0x4b: {  	[sflag:s31] =	ssyncpa.u1 $0x1  }
0x4c: {  	p0 =	sne.s32 s1, $0x0;
	_ =	strace $0x90000047  }
0x4d: {  	s0 =	sadd.s32 @!p0 $0x100000, s0;
	[bflag:$0x2] =	sbarrier.arrive $0xFFFF  }
0x4e: {  	[sflag:s0] =	ssyncadd.tile.s32 @!p0 $0x1;
	_ =	shalt  }
.Lfunc_end1:
_tile_overlayer_lowered:
.L_overlay_start_2:
0x4f: {  	(tag) =	ssettag $0x2  }
0x50: {  	s0 =	rddreg [dreg:$0x0];
	s2 =	stileid.u32  }
0x51: {  	s1 =	rddreg [dreg:$0x1];
	p0 =	sne.s32 s2, $0x0  }
0x52: {  	s3 =	rddreg [dreg:$0x2];
	[bflag:$0x3] =	sbarrier.arrive $0xFFFF;
	s2 =	simm.s32 @!p0 $0x1C01  }
0x53: {  	[timem:s3], [sflag:s2] =	dma.local @!p0 [hbm:s0], s1  }
0x54: {  	s0 =	simm.s32 @!p0 $0x1  }
0x55: {  	_ =	swait.ge @!p0 [sflag:s0], s1  }
0x56: {  	s1 =	ssub.s32 @!p0 $0x0, s1;
	[sflag:s0] =	ssyncset.done @!p0 $0x0  }
0x57: {  	[sflag:s0] =	ssyncadd.s32 @!p0 s1  }
0x58: {  	[bflag:$0x3] =	sbarrier.arrive $0xFFFF  }
0x59: {  	_ =	shalt  }

</sc_bundles>
